<compile_context>
chip_gen: v7x
topology: tpu7x:2x2x1
jax: 0.10.2.dev20260603
libtpu: 0.0.44.dev20260713+nightly
codegen_flags: <defaults>
</compile_context>

<pallas_src>
import functools
import math

import jax
import jax.numpy as jnp
import numpy as np
from jax import lax
from jax.experimental import pallas as pl
from jax.experimental.pallas import tpu as pltpu
from jax.experimental.pallas import tpu_sc as plsc

_NC = 2
_NS = 16
_NW = _NC * _NS
_IDX_CHUNK = 128


def _sc_gather(table, idx2d, n_rows, d):
    chunks_per_w = idx2d.shape[0] // _NW
    rows_per_w = chunks_per_w * _IDX_CHUNK
    mesh = plsc.VectorSubcoreMesh(core_axis_name="c", subcore_axis_name="s")

    @functools.partial(
        pl.kernel,
        mesh=mesh,
        out_type=jax.ShapeDtypeStruct((n_rows, d), jnp.float32),
        scratch_types=[
            pltpu.VMEM((chunks_per_w, _IDX_CHUNK), jnp.int32),
            pltpu.VMEM((rows_per_w, d), jnp.float32),
        ]
        + [pltpu.SemaphoreType.DMA] * chunks_per_w
        + [pltpu.SemaphoreType.DMA],
    )
    def gather_kernel(table_hbm, idx_hbm, out_hbm, idx_v, rows_v, *sems):
        in_sems, out_sem = sems[:-1], sems[-1]
        wid = lax.axis_index("s") * _NC + lax.axis_index("c")
        base_chunk = wid * chunks_per_w
        pltpu.sync_copy(idx_hbm.at[pl.ds(base_chunk, chunks_per_w)], idx_v)
        gathers = []
        for j in range(chunks_per_w):
            gathers.append(
                pltpu.async_copy(
                    table_hbm.at[idx_v.at[j]],
                    rows_v.at[pl.ds(j * _IDX_CHUNK, _IDX_CHUNK)],
                    in_sems[j],
                )
            )
        writes = []
        for j in range(chunks_per_w):
            gathers[j].wait()
            writes.append(
                pltpu.async_copy(
                    rows_v.at[pl.ds(j * _IDX_CHUNK, _IDX_CHUNK)],
                    out_hbm.at[pl.ds(wid * rows_per_w + j * _IDX_CHUNK, _IDX_CHUNK)],
                    out_sem,
                )
            )
        for wcopy in writes:
            wcopy.wait()

    return gather_kernel(table, idx2d)


@functools.lru_cache(maxsize=None)
def _pe_table(s, d):
    position = np.arange(s, dtype=np.float64)[:, None]
    div_term = np.exp(np.arange(0, d, 2, dtype=np.float64) * (-math.log(10000.0) / d))
    pe = np.zeros((s, d), dtype=np.float32)
    pe[:, 0::2] = np.sin(position * div_term).astype(np.float32)
    pe[:, 1::2] = np.cos(position * div_term).astype(np.float32)
    return jnp.asarray(pe)


_SBLK = 1024


def _scan_body(v_ref, bk_ref, mt_ref):
    bn, s_full = v_ref.shape
    v = v_ref[...]
    s_iota = lax.broadcasted_iota(jnp.int32, (bn, s_full), 1)
    key = jnp.where(v != 0, s_iota * 32 + v, -1)
    run = key
    sh = 1
    while sh < s_full:
        pad = jnp.full((bn, sh), -1, jnp.int32)
        run = jnp.maximum(
            run, jnp.concatenate([pad, run[:, : s_full - sh]], axis=1)
        )
        sh *= 2
    pkey = jnp.concatenate(
        [jnp.full((bn, 1), -1, jnp.int32), run[:, : s_full - 1]], axis=1
    )
    prev = jnp.where(pkey >= 0, jnp.bitwise_and(pkey, 31), -1)
    w4 = jnp.where((v != 0) & (v != prev), 1.2, 1.0).astype(jnp.float32)
    btf = bk_ref[...].astype(jnp.float32)
    m = jnp.concatenate([w4, btf], axis=0)
    mt_ref[...] = m.T


def _tc_body(emb_ref, mt_ref, pe_ref, book_ref, g_ref, beta_ref, out_ref):
    sblk, d = pe_ref.shape
    bn = emb_ref.shape[0]
    pe = pe_ref[...]
    book = book_ref[...]
    g = g_ref[...]
    beta = beta_ref[...]
    jmat = jnp.full((d, d), 1.0 / d, dtype=jnp.float32)
    scale = math.sqrt(d)
    sl = mt_ref[...]
    iota4 = lax.broadcasted_iota(jnp.int32, (sblk, 4), 1).astype(jnp.float32)
    for b in range(bn):
        emb = emb_ref[b]
        w = sl[:, b : b + 1]
        btc = sl[:, bn + b : bn + b + 1]
        oh = (btc == iota4).astype(jnp.float32)
        z = jnp.dot(oh, book, preferred_element_type=jnp.float32)
        x = emb * scale + pe * w + z
        mu = jnp.dot(x, jmat, preferred_element_type=jnp.float32)
        m2 = jnp.dot(x * x, jmat, preferred_element_type=jnp.float32)
        r = lax.rsqrt(m2 - mu * mu + 1e-5)
        out_ref[b] = (x - mu) * r * g + beta


def kernel(token_ids, verse_positions, book_types, token_table, book_table,
           ln_gamma, ln_beta):
    bn, s = token_ids.shape
    vocab, d = token_table.shape
    n_rows = bn * s
    idx2d = token_ids.reshape(n_rows // _IDX_CHUNK, _IDX_CHUNK).astype(jnp.int32)
    emb_rows = _sc_gather(token_table, idx2d, n_rows, d)
    emb = emb_rows.reshape(bn, s, d)

    pe = _pe_table(s, d)

    mt = pl.pallas_call(
        _scan_body,
        out_shape=jax.ShapeDtypeStruct((s, 2 * bn), jnp.float32),
    )(verse_positions.astype(jnp.int32), book_types.astype(jnp.int32))

    grid = s // _SBLK
    out = pl.pallas_call(
        _tc_body,
        grid=(grid,),
        in_specs=[
            pl.BlockSpec((bn, _SBLK, d), lambda i: (0, i, 0)),
            pl.BlockSpec((_SBLK, 2 * bn), lambda i: (i, 0)),
            pl.BlockSpec((_SBLK, d), lambda i: (i, 0)),
            pl.BlockSpec((4, d), lambda i: (0, 0)),
            pl.BlockSpec((d,), lambda i: (0,)),
            pl.BlockSpec((d,), lambda i: (0,)),
        ],
        out_specs=pl.BlockSpec((bn, _SBLK, d), lambda i: (0, i, 0)),
        out_shape=jax.ShapeDtypeStruct((bn, s, d), jnp.float32),
    )(emb, mt, pe, book_table.astype(jnp.float32), ln_gamma, ln_beta)
    return out

# --- scband reference (transcript-rebuilt; emitter-appended) ---
"""Pipeline reference for scband-verse-aware-embeddings-5987184411235 (READ-ONLY COPY).

The authoritative reference and input builder live on the scoring server;
editing this copy changes nothing except your own understanding.
"""

import jax, jax.numpy as jnp
import numpy as np
import math

VOCAB = 100000
D = 128
B = 4
S = 2048


def _sinusoidal_pe(seq_len, dim):
    position = jnp.arange(seq_len, dtype=jnp.float32)[:, None]
    div_term = jnp.exp(jnp.arange(0, dim, 2, dtype=jnp.float32) * (-math.log(10000.0) / dim))
    pe = jnp.zeros((seq_len, dim), dtype=jnp.float32)
    pe = pe.at[:, 0::2].set(jnp.sin(position * div_term))
    pe = pe.at[:, 1::2].set(jnp.cos(position * div_term))
    return pe


def _verse_weights(verse_positions):
    # Faithful vectorization of the sequential loop in _compute_verse_weights:
    # weight = 1.2 where verse id is nonzero and differs from the last nonzero verse id.
    b = verse_positions.shape[0]
    prev0 = jnp.full((b,), -1, dtype=verse_positions.dtype)

    def step(prev, v):
        nz = v != 0
        changed = nz & (v != prev)
        w = jnp.where(changed, 1.2, 1.0).astype(jnp.float32)
        new_prev = jnp.where(nz, v, prev)
        return new_prev, w

    _, ws = jax.lax.scan(step, prev0, verse_positions.T)  # [S, B]
    return ws.T  # [B, S]


def setup_inputs(seed: int = 0) -> dict:
    key = jax.random.key(seed)
    k1, k2, k3, k4, k5 = jax.random.split(key, 5)
    token_ids = jax.random.randint(k1, (B, S), 0, VOCAB)
    verse_positions = jax.random.randint(k2, (B, S), 0, 32)
    book_types = jax.random.randint(k3, (B, S), 0, 4)
    bound = math.sqrt(6.0 / (VOCAB + D))  # xavier_uniform
    token_table = jax.random.uniform(k4, (VOCAB, D), minval=-bound, maxval=bound, dtype=jnp.float32)
    token_table = token_table.at[0].set(0.0)  # padding_idx = 0
    book_table = jax.random.normal(k5, (4, D), dtype=jnp.float32)
    ln_gamma = jnp.ones((D,), dtype=jnp.float32)
    ln_beta = jnp.zeros((D,), dtype=jnp.float32)
    return {
        "token_ids": token_ids,
        "verse_positions": verse_positions,
        "book_types": book_types,
        "token_table": token_table,
        "book_table": book_table,
        "ln_gamma": ln_gamma,
        "ln_beta": ln_beta,
    }


def reference(token_ids, verse_positions, book_types, token_table, book_table, ln_gamma, ln_beta):
    seq_len = token_ids.shape[1]
    dim = token_table.shape[1]
    # TokenEmbeddings: lookup * sqrt(d)
    emb = jnp.take(token_table, token_ids, axis=0) * math.sqrt(dim)
    # PositionalEncoding with verse-aware weighting (dropout = identity in eval)
    pe = _sinusoidal_pe(seq_len, dim)
    w = _verse_weights(verse_positions)
    positions = pe[None, :, :] * w[:, :, None]
    x = emb + positions
    # book type embedding
    x = x + jnp.take(book_table, book_types, axis=0)
    # LayerNorm (eps=1e-5)
    mu = jnp.mean(x, axis=-1, keepdims=True)
    var = jnp.var(x, axis=-1, keepdims=True)
    xn = (x - mu) / jnp.sqrt(var + 1e-5)
    return xn * ln_gamma + ln_beta

if __name__ == "__main__":
    import jax
    _d = setup_inputs()
    print(jax.jit(kernel)(*tuple(_d.values())))

</pallas_src>

<mosaic_0001>
#map = affine_map<(d0, d1) -> (0, 0)>
module attributes {stable_mosaic.version = 14 : i64} {
  func.func @gather_kernel(%arg0: i32, %arg1: i32, %arg2: memref<100000x128xf32, #tpu.memory_space<hbm>>, %arg3: memref<64x128xi32, #tpu.memory_space<hbm>>, %arg4: memref<8192x128xf32, #tpu.memory_space<hbm>>, %arg5: memref<2x128xi32, #tpu.memory_space<vmem>>, %arg6: memref<256x128xf32, #tpu.memory_space<vmem>>, %arg7: memref<!tpu.dma_semaphore, #tpu.memory_space<semaphore_mem>>, %arg8: memref<!tpu.dma_semaphore, #tpu.memory_space<semaphore_mem>>, %arg9: memref<!tpu.dma_semaphore, #tpu.memory_space<semaphore_mem>>) attributes {dimension_semantics = [#tpu.dimension_semantics<core_parallel>, #tpu.dimension_semantics<subcore_parallel>], iteration_bounds = array<i64: 2, 16>, scalar_prefetch = 0 : i64, scratch_operands = 5 : i64, tpu.core_type = #tpu.core_type<sc_vector_subcore>, window_params = [{transform_indices = #map}, {transform_indices = #map}, {transform_indices = #map}]} {
    %mul3A = arith.constant 2 : i32
    %mul3A_0 = arith.muli %arg1, %mul3A : i32
    %add3A = arith.addi %mul3A_0, %arg0 : i32
    %mul3A_1 = arith.constant 2 : i32
    %mul3A_2 = arith.muli %add3A, %mul3A_1 : i32
    "tpu.region"() ({
      %run_scoped3A = tpu.sem_alloc : memref<!tpu.dma_semaphore, #tpu.memory_space<semaphore_mem>>
      %dma_start3A_89 = arith.constant 0 : i32
      %dma_start3A_90 = tpu.memref_slice %arg3[%mul3A_2, %dma_start3A_89] : memref<64x128xi32, #tpu.memory_space<hbm>> -> memref<2x128xi32, #tpu.memory_space<hbm>>
      %dma_start3A_91 = arith.constant 0 : i32
      %dma_start3A_92 = tpu.memref_slice %arg3[%mul3A_2, %dma_start3A_91] : memref<64x128xi32, #tpu.memory_space<hbm>> -> memref<2x128xi32, #tpu.memory_space<hbm>>
      tpu.enqueue_dma source(%dma_start3A_92 : memref<2x128xi32, #tpu.memory_space<hbm>>) target(%arg5 : memref<2x128xi32, #tpu.memory_space<vmem>>) target_semaphore(%run_scoped3A : memref<!tpu.dma_semaphore, #tpu.memory_space<semaphore_mem>>)
      %dma_wait3A_93 = arith.constant 0 : i32
      %dma_wait3A_94 = tpu.memref_slice %arg3[%mul3A_2, %dma_wait3A_93] : memref<64x128xi32, #tpu.memory_space<hbm>> -> memref<2x128xi32, #tpu.memory_space<hbm>>
      %dma_wait3A_95 = arith.constant 0 : i32
      %dma_wait3A_96 = tpu.memref_slice %arg3[%mul3A_2, %dma_wait3A_95] : memref<64x128xi32, #tpu.memory_space<hbm>> -> memref<2x128xi32, #tpu.memory_space<hbm>>
      tpu.wait_dma2 semaphore(%run_scoped3A : memref<!tpu.dma_semaphore, #tpu.memory_space<semaphore_mem>>) src(%dma_wait3A_96 : memref<2x128xi32, #tpu.memory_space<hbm>>) dst(%arg5 : memref<2x128xi32, #tpu.memory_space<vmem>>)
      tpu.yield
    }) : () -> ()
    %dma_start3A = arith.constant 0 : i32
    %dma_start3A_3 = arith.constant 0 : i32
    %dma_start3A_4 = arith.constant 0 : i32
    %dma_start3A_5 = tpu.memref_slice %arg6[%dma_start3A_3, %dma_start3A_4] : memref<256x128xf32, #tpu.memory_space<vmem>> -> memref<128x128xf32, #tpu.memory_space<vmem>>
    %dma_start3A_6 = arith.constant 0 : i32
    %dma_start3A_7 = tpu.memref_slice %arg5[%dma_start3A, %dma_start3A_6] : memref<2x128xi32, #tpu.memory_space<vmem>> -> memref<1x128xi32, #tpu.memory_space<vmem>>
    %dma_start3A_8 = tpu.memref_squeeze %dma_start3A_7 : memref<1x128xi32, #tpu.memory_space<vmem>> -> memref<128xi32, #tpu.memory_space<vmem>>
    %dma_start3A_9 = arith.constant 0 : i32
    %dma_start3A_10 = arith.constant 0 : i32
    %dma_start3A_11 = tpu.memref_slice %arg2[%dma_start3A_9, %dma_start3A_10] : memref<100000x128xf32, #tpu.memory_space<hbm>> -> memref<100000x128xf32, #tpu.memory_space<hbm>>
    tpu.enqueue_indirect_dma source(%dma_start3A_11 : memref<100000x128xf32, #tpu.memory_space<hbm>>) target(%dma_start3A_5 : memref<128x128xf32, #tpu.memory_space<vmem>>) offsets(%dma_start3A_8 : memref<128xi32, #tpu.memory_space<vmem>>) semaphore(%arg7 : memref<!tpu.dma_semaphore, #tpu.memory_space<semaphore_mem>>)
    %dma_start3A_12 = arith.constant 1 : i32
    %dma_start3A_13 = arith.constant 128 : i32
    %dma_start3A_14 = arith.constant 0 : i32
    %dma_start3A_15 = tpu.memref_slice %arg6[%dma_start3A_13, %dma_start3A_14] : memref<256x128xf32, #tpu.memory_space<vmem>> -> memref<128x128xf32, #tpu.memory_space<vmem>>
    %dma_start3A_16 = arith.constant 0 : i32
    %dma_start3A_17 = tpu.memref_slice %arg5[%dma_start3A_12, %dma_start3A_16] : memref<2x128xi32, #tpu.memory_space<vmem>> -> memref<1x128xi32, #tpu.memory_space<vmem>>
    %dma_start3A_18 = tpu.memref_squeeze %dma_start3A_17 : memref<1x128xi32, #tpu.memory_space<vmem>> -> memref<128xi32, #tpu.memory_space<vmem>>
    %dma_start3A_19 = arith.constant 0 : i32
    %dma_start3A_20 = arith.constant 0 : i32
    %dma_start3A_21 = tpu.memref_slice %arg2[%dma_start3A_19, %dma_start3A_20] : memref<100000x128xf32, #tpu.memory_space<hbm>> -> memref<100000x128xf32, #tpu.memory_space<hbm>>
    tpu.enqueue_indirect_dma source(%dma_start3A_21 : memref<100000x128xf32, #tpu.memory_space<hbm>>) target(%dma_start3A_15 : memref<128x128xf32, #tpu.memory_space<vmem>>) offsets(%dma_start3A_18 : memref<128xi32, #tpu.memory_space<vmem>>) semaphore(%arg8 : memref<!tpu.dma_semaphore, #tpu.memory_space<semaphore_mem>>)
    %dma_wait3A = arith.constant 0 : i32
    %dma_wait3A_22 = arith.constant 0 : i32
    %dma_wait3A_23 = arith.constant 0 : i32
    %dma_wait3A_24 = tpu.memref_slice %arg6[%dma_wait3A_22, %dma_wait3A_23] : memref<256x128xf32, #tpu.memory_space<vmem>> -> memref<128x128xf32, #tpu.memory_space<vmem>>
    %dma_wait3A_25 = arith.constant 0 : i32
    %dma_wait3A_26 = tpu.memref_slice %arg5[%dma_wait3A, %dma_wait3A_25] : memref<2x128xi32, #tpu.memory_space<vmem>> -> memref<1x128xi32, #tpu.memory_space<vmem>>
    %dma_wait3A_27 = tpu.memref_squeeze %dma_wait3A_26 : memref<1x128xi32, #tpu.memory_space<vmem>> -> memref<128xi32, #tpu.memory_space<vmem>>
    %dma_wait3A_28 = arith.constant 0 : i32
    %dma_wait3A_29 = arith.constant 0 : i32
    %dma_wait3A_30 = tpu.memref_slice %arg2[%dma_wait3A_28, %dma_wait3A_29] : memref<100000x128xf32, #tpu.memory_space<hbm>> -> memref<100000x128xf32, #tpu.memory_space<hbm>>
    tpu.wait_indirect_dma semaphore(%arg7 : memref<!tpu.dma_semaphore, #tpu.memory_space<semaphore_mem>>) src(%dma_wait3A_30 : memref<100000x128xf32, #tpu.memory_space<hbm>>) dst(%dma_wait3A_24 : memref<128x128xf32, #tpu.memory_space<vmem>>)
    %mul3A_31 = arith.constant 256 : i32
    %mul3A_32 = arith.muli %add3A, %mul3A_31 : i32
    %add3A_33 = arith.constant 0 : i32
    %add3A_34 = arith.addi %mul3A_32, %add3A_33 : i32
    %dma_start3A_35 = arith.constant 0 : i32
    %dma_start3A_36 = arith.constant 0 : i32
    %dma_start3A_37 = tpu.memref_slice %arg6[%dma_start3A_35, %dma_start3A_36] : memref<256x128xf32, #tpu.memory_space<vmem>> -> memref<128x128xf32, #tpu.memory_space<vmem>>
    %dma_start3A_38 = arith.constant 0 : i32
    %dma_start3A_39 = tpu.memref_slice %arg4[%add3A_34, %dma_start3A_38] : memref<8192x128xf32, #tpu.memory_space<hbm>> -> memref<128x128xf32, #tpu.memory_space<hbm>>
    %dma_start3A_40 = arith.constant 0 : i32
    %dma_start3A_41 = tpu.memref_slice %arg4[%add3A_34, %dma_start3A_40] : memref<8192x128xf32, #tpu.memory_space<hbm>> -> memref<128x128xf32, #tpu.memory_space<hbm>>
    %dma_start3A_42 = arith.constant 0 : i32
    %dma_start3A_43 = arith.constant 0 : i32
    %dma_start3A_44 = tpu.memref_slice %arg6[%dma_start3A_42, %dma_start3A_43] : memref<256x128xf32, #tpu.memory_space<vmem>> -> memref<128x128xf32, #tpu.memory_space<vmem>>
    tpu.enqueue_dma source(%dma_start3A_44 : memref<128x128xf32, #tpu.memory_space<vmem>>) target(%dma_start3A_41 : memref<128x128xf32, #tpu.memory_space<hbm>>) target_semaphore(%arg9 : memref<!tpu.dma_semaphore, #tpu.memory_space<semaphore_mem>>)
    %dma_wait3A_45 = arith.constant 1 : i32
    %dma_wait3A_46 = arith.constant 128 : i32
    %dma_wait3A_47 = arith.constant 0 : i32
    %dma_wait3A_48 = tpu.memref_slice %arg6[%dma_wait3A_46, %dma_wait3A_47] : memref<256x128xf32, #tpu.memory_space<vmem>> -> memref<128x128xf32, #tpu.memory_space<vmem>>
    %dma_wait3A_49 = arith.constant 0 : i32
    %dma_wait3A_50 = tpu.memref_slice %arg5[%dma_wait3A_45, %dma_wait3A_49] : memref<2x128xi32, #tpu.memory_space<vmem>> -> memref<1x128xi32, #tpu.memory_space<vmem>>
    %dma_wait3A_51 = tpu.memref_squeeze %dma_wait3A_50 : memref<1x128xi32, #tpu.memory_space<vmem>> -> memref<128xi32, #tpu.memory_space<vmem>>
    %dma_wait3A_52 = arith.constant 0 : i32
    %dma_wait3A_53 = arith.constant 0 : i32
    %dma_wait3A_54 = tpu.memref_slice %arg2[%dma_wait3A_52, %dma_wait3A_53] : memref<100000x128xf32, #tpu.memory_space<hbm>> -> memref<100000x128xf32, #tpu.memory_space<hbm>>
    tpu.wait_indirect_dma semaphore(%arg8 : memref<!tpu.dma_semaphore, #tpu.memory_space<semaphore_mem>>) src(%dma_wait3A_54 : memref<100000x128xf32, #tpu.memory_space<hbm>>) dst(%dma_wait3A_48 : memref<128x128xf32, #tpu.memory_space<vmem>>)
    %mul3A_55 = arith.constant 256 : i32
    %mul3A_56 = arith.muli %add3A, %mul3A_55 : i32
    %add3A_57 = arith.constant 128 : i32
    %add3A_58 = arith.addi %mul3A_56, %add3A_57 : i32
    %dma_start3A_59 = arith.constant 128 : i32
    %dma_start3A_60 = arith.constant 0 : i32
    %dma_start3A_61 = tpu.memref_slice %arg6[%dma_start3A_59, %dma_start3A_60] : memref<256x128xf32, #tpu.memory_space<vmem>> -> memref<128x128xf32, #tpu.memory_space<vmem>>
    %dma_start3A_62 = arith.constant 0 : i32
    %dma_start3A_63 = tpu.memref_slice %arg4[%add3A_58, %dma_start3A_62] : memref<8192x128xf32, #tpu.memory_space<hbm>> -> memref<128x128xf32, #tpu.memory_space<hbm>>
    %dma_start3A_64 = arith.constant 0 : i32
    %dma_start3A_65 = tpu.memref_slice %arg4[%add3A_58, %dma_start3A_64] : memref<8192x128xf32, #tpu.memory_space<hbm>> -> memref<128x128xf32, #tpu.memory_space<hbm>>
    %dma_start3A_66 = arith.constant 128 : i32
    %dma_start3A_67 = arith.constant 0 : i32
    %dma_start3A_68 = tpu.memref_slice %arg6[%dma_start3A_66, %dma_start3A_67] : memref<256x128xf32, #tpu.memory_space<vmem>> -> memref<128x128xf32, #tpu.memory_space<vmem>>
    tpu.enqueue_dma source(%dma_start3A_68 : memref<128x128xf32, #tpu.memory_space<vmem>>) target(%dma_start3A_65 : memref<128x128xf32, #tpu.memory_space<hbm>>) target_semaphore(%arg9 : memref<!tpu.dma_semaphore, #tpu.memory_space<semaphore_mem>>)
    %dma_wait3A_69 = arith.constant 0 : i32
    %dma_wait3A_70 = arith.constant 0 : i32
    %dma_wait3A_71 = tpu.memref_slice %arg6[%dma_wait3A_69, %dma_wait3A_70] : memref<256x128xf32, #tpu.memory_space<vmem>> -> memref<128x128xf32, #tpu.memory_space<vmem>>
    %dma_wait3A_72 = arith.constant 0 : i32
    %dma_wait3A_73 = tpu.memref_slice %arg4[%add3A_34, %dma_wait3A_72] : memref<8192x128xf32, #tpu.memory_space<hbm>> -> memref<128x128xf32, #tpu.memory_space<hbm>>
    %dma_wait3A_74 = arith.constant 0 : i32
    %dma_wait3A_75 = tpu.memref_slice %arg4[%add3A_34, %dma_wait3A_74] : memref<8192x128xf32, #tpu.memory_space<hbm>> -> memref<128x128xf32, #tpu.memory_space<hbm>>
    %dma_wait3A_76 = arith.constant 0 : i32
    %dma_wait3A_77 = arith.constant 0 : i32
    %dma_wait3A_78 = tpu.memref_slice %arg6[%dma_wait3A_76, %dma_wait3A_77] : memref<256x128xf32, #tpu.memory_space<vmem>> -> memref<128x128xf32, #tpu.memory_space<vmem>>
    tpu.wait_dma2 semaphore(%arg9 : memref<!tpu.dma_semaphore, #tpu.memory_space<semaphore_mem>>) src(%dma_wait3A_78 : memref<128x128xf32, #tpu.memory_space<vmem>>) dst(%dma_wait3A_75 : memref<128x128xf32, #tpu.memory_space<hbm>>)
    %dma_wait3A_79 = arith.constant 128 : i32
    %dma_wait3A_80 = arith.constant 0 : i32
    %dma_wait3A_81 = tpu.memref_slice %arg6[%dma_wait3A_79, %dma_wait3A_80] : memref<256x128xf32, #tpu.memory_space<vmem>> -> memref<128x128xf32, #tpu.memory_space<vmem>>
    %dma_wait3A_82 = arith.constant 0 : i32
    %dma_wait3A_83 = tpu.memref_slice %arg4[%add3A_58, %dma_wait3A_82] : memref<8192x128xf32, #tpu.memory_space<hbm>> -> memref<128x128xf32, #tpu.memory_space<hbm>>
    %dma_wait3A_84 = arith.constant 0 : i32
    %dma_wait3A_85 = tpu.memref_slice %arg4[%add3A_58, %dma_wait3A_84] : memref<8192x128xf32, #tpu.memory_space<hbm>> -> memref<128x128xf32, #tpu.memory_space<hbm>>
    %dma_wait3A_86 = arith.constant 128 : i32
    %dma_wait3A_87 = arith.constant 0 : i32
    %dma_wait3A_88 = tpu.memref_slice %arg6[%dma_wait3A_86, %dma_wait3A_87] : memref<256x128xf32, #tpu.memory_space<vmem>> -> memref<128x128xf32, #tpu.memory_space<vmem>>
    tpu.wait_dma2 semaphore(%arg9 : memref<!tpu.dma_semaphore, #tpu.memory_space<semaphore_mem>>) src(%dma_wait3A_88 : memref<128x128xf32, #tpu.memory_space<vmem>>) dst(%dma_wait3A_85 : memref<128x128xf32, #tpu.memory_space<hbm>>)
    return
  }
}

module attributes {stable_mosaic.version = 14 : i64} {
  func.func @_scan_body(%arg0: memref<4x2048xi32, #tpu.memory_space<vmem>>, %arg1: memref<4x2048xi32, #tpu.memory_space<vmem>>, %arg2: memref<2048x8xf32, #tpu.memory_space<vmem>>) attributes {dimension_semantics = [], scalar_prefetch = 0 : i64, scratch_operands = 0 : i64, tpu.core_type = #tpu.core_type<tc>} {
    %get3A = arith.constant 0 : index
    %get3A_0 = arith.constant 0 : index
    %get3A_1 = vector.load %arg0[%get3A, %get3A_0] : memref<4x2048xi32, #tpu.memory_space<vmem>>, vector<4x2048xi32>
    %iota3A = tpu.iota {dimensions = array<i32: 1>} : vector<4x2048xi32>
    %ne3A = arith.constant 0 : i32
    %ne3A_2 = vector.broadcast %ne3A : i32 to vector<4x2048xi32>
    %ne3A_3 = arith.cmpi ne, %get3A_1, %ne3A_2 : vector<4x2048xi32>
    %mul3A = arith.constant 32 : i32
    %mul3A_4 = vector.broadcast %mul3A : i32 to vector<4x2048xi32>
    %mul3A_5 = arith.muli %iota3A, %mul3A_4 : vector<4x2048xi32>
    %add3A = arith.addi %mul3A_5, %get3A_1 : vector<4x2048xi32>
    %jit3A = arith.constant -1 : i32
    %broadcast_in_dim3A = vector.broadcast %jit3A : i32 to vector<4x2048xi32>
    %select_n3A = arith.select %ne3A_3, %add3A, %broadcast_in_dim3A : vector<4x2048xi1>, vector<4x2048xi32>
    %broadcast_in_dim3A_6 = arith.constant -1 : i32
    %broadcast_in_dim3A_7 = vector.broadcast %broadcast_in_dim3A_6 : i32 to vector<4x1xi32>
    %slice3A = vector.extract_strided_slice %select_n3A {offsets = [0, 0], sizes = [4, 2047], strides = [1, 1]} : vector<4x2048xi32> to vector<4x2047xi32>
    %concatenate3A = tpu.concatenate %broadcast_in_dim3A_7, %slice3A in 1 : vector<4x1xi32>, vector<4x2047xi32> -> vector<4x2048xi32>
    %max3A = arith.maxsi %select_n3A, %concatenate3A : vector<4x2048xi32>
    %broadcast_in_dim3A_8 = arith.constant -1 : i32
    %broadcast_in_dim3A_9 = vector.broadcast %broadcast_in_dim3A_8 : i32 to vector<4x2xi32>
    %slice3A_10 = vector.extract_strided_slice %max3A {offsets = [0, 0], sizes = [4, 2046], strides = [1, 1]} : vector<4x2048xi32> to vector<4x2046xi32>
    %concatenate3A_11 = tpu.concatenate %broadcast_in_dim3A_9, %slice3A_10 in 1 : vector<4x2xi32>, vector<4x2046xi32> -> vector<4x2048xi32>
    %max3A_12 = arith.maxsi %max3A, %concatenate3A_11 : vector<4x2048xi32>
    %broadcast_in_dim3A_13 = arith.constant -1 : i32
    %broadcast_in_dim3A_14 = vector.broadcast %broadcast_in_dim3A_13 : i32 to vector<4x4xi32>
    %slice3A_15 = vector.extract_strided_slice %max3A_12 {offsets = [0, 0], sizes = [4, 2044], strides = [1, 1]} : vector<4x2048xi32> to vector<4x2044xi32>
    %concatenate3A_16 = tpu.concatenate %broadcast_in_dim3A_14, %slice3A_15 in 1 : vector<4x4xi32>, vector<4x2044xi32> -> vector<4x2048xi32>
    %max3A_17 = arith.maxsi %max3A_12, %concatenate3A_16 : vector<4x2048xi32>
    %broadcast_in_dim3A_18 = arith.constant -1 : i32
    %broadcast_in_dim3A_19 = vector.broadcast %broadcast_in_dim3A_18 : i32 to vector<4x8xi32>
    %slice3A_20 = vector.extract_strided_slice %max3A_17 {offsets = [0, 0], sizes = [4, 2040], strides = [1, 1]} : vector<4x2048xi32> to vector<4x2040xi32>
    %concatenate3A_21 = tpu.concatenate %broadcast_in_dim3A_19, %slice3A_20 in 1 : vector<4x8xi32>, vector<4x2040xi32> -> vector<4x2048xi32>
    %max3A_22 = arith.maxsi %max3A_17, %concatenate3A_21 : vector<4x2048xi32>
    %broadcast_in_dim3A_23 = arith.constant -1 : i32
    %broadcast_in_dim3A_24 = vector.broadcast %broadcast_in_dim3A_23 : i32 to vector<4x16xi32>
    %slice3A_25 = vector.extract_strided_slice %max3A_22 {offsets = [0, 0], sizes = [4, 2032], strides = [1, 1]} : vector<4x2048xi32> to vector<4x2032xi32>
    %concatenate3A_26 = tpu.concatenate %broadcast_in_dim3A_24, %slice3A_25 in 1 : vector<4x16xi32>, vector<4x2032xi32> -> vector<4x2048xi32>
    %max3A_27 = arith.maxsi %max3A_22, %concatenate3A_26 : vector<4x2048xi32>
    %broadcast_in_dim3A_28 = arith.constant -1 : i32
    %broadcast_in_dim3A_29 = vector.broadcast %broadcast_in_dim3A_28 : i32 to vector<4x32xi32>
    %slice3A_30 = vector.extract_strided_slice %max3A_27 {offsets = [0, 0], sizes = [4, 2016], strides = [1, 1]} : vector<4x2048xi32> to vector<4x2016xi32>
    %concatenate3A_31 = tpu.concatenate %broadcast_in_dim3A_29, %slice3A_30 in 1 : vector<4x32xi32>, vector<4x2016xi32> -> vector<4x2048xi32>
    %max3A_32 = arith.maxsi %max3A_27, %concatenate3A_31 : vector<4x2048xi32>
    %broadcast_in_dim3A_33 = arith.constant -1 : i32
    %broadcast_in_dim3A_34 = vector.broadcast %broadcast_in_dim3A_33 : i32 to vector<4x64xi32>
    %slice3A_35 = vector.extract_strided_slice %max3A_32 {offsets = [0, 0], sizes = [4, 1984], strides = [1, 1]} : vector<4x2048xi32> to vector<4x1984xi32>
    %concatenate3A_36 = tpu.concatenate %broadcast_in_dim3A_34, %slice3A_35 in 1 : vector<4x64xi32>, vector<4x1984xi32> -> vector<4x2048xi32>
    %max3A_37 = arith.maxsi %max3A_32, %concatenate3A_36 : vector<4x2048xi32>
    %broadcast_in_dim3A_38 = arith.constant -1 : i32
    %broadcast_in_dim3A_39 = vector.broadcast %broadcast_in_dim3A_38 : i32 to vector<4x128xi32>
    %slice3A_40 = vector.extract_strided_slice %max3A_37 {offsets = [0, 0], sizes = [4, 1920], strides = [1, 1]} : vector<4x2048xi32> to vector<4x1920xi32>
    %concatenate3A_41 = tpu.concatenate %broadcast_in_dim3A_39, %slice3A_40 in 1 : vector<4x128xi32>, vector<4x1920xi32> -> vector<4x2048xi32>
    %max3A_42 = arith.maxsi %max3A_37, %concatenate3A_41 : vector<4x2048xi32>
    %broadcast_in_dim3A_43 = arith.constant -1 : i32
    %broadcast_in_dim3A_44 = vector.broadcast %broadcast_in_dim3A_43 : i32 to vector<4x256xi32>
    %slice3A_45 = vector.extract_strided_slice %max3A_42 {offsets = [0, 0], sizes = [4, 1792], strides = [1, 1]} : vector<4x2048xi32> to vector<4x1792xi32>
    %concatenate3A_46 = tpu.concatenate %broadcast_in_dim3A_44, %slice3A_45 in 1 : vector<4x256xi32>, vector<4x1792xi32> -> vector<4x2048xi32>
    %max3A_47 = arith.maxsi %max3A_42, %concatenate3A_46 : vector<4x2048xi32>
    %broadcast_in_dim3A_48 = arith.constant -1 : i32
    %broadcast_in_dim3A_49 = vector.broadcast %broadcast_in_dim3A_48 : i32 to vector<4x512xi32>
    %slice3A_50 = vector.extract_strided_slice %max3A_47 {offsets = [0, 0], sizes = [4, 1536], strides = [1, 1]} : vector<4x2048xi32> to vector<4x1536xi32>
    %concatenate3A_51 = tpu.concatenate %broadcast_in_dim3A_49, %slice3A_50 in 1 : vector<4x512xi32>, vector<4x1536xi32> -> vector<4x2048xi32>
    %max3A_52 = arith.maxsi %max3A_47, %concatenate3A_51 : vector<4x2048xi32>
    %broadcast_in_dim3A_53 = arith.constant -1 : i32
    %broadcast_in_dim3A_54 = vector.broadcast %broadcast_in_dim3A_53 : i32 to vector<4x1024xi32>
    %slice3A_55 = vector.extract_strided_slice %max3A_52 {offsets = [0, 0], sizes = [4, 1024], strides = [1, 1]} : vector<4x2048xi32> to vector<4x1024xi32>
    %concatenate3A_56 = tpu.concatenate %broadcast_in_dim3A_54, %slice3A_55 in 1 : vector<4x1024xi32>, vector<4x1024xi32> -> vector<4x2048xi32>
    %max3A_57 = arith.maxsi %max3A_52, %concatenate3A_56 : vector<4x2048xi32>
    %broadcast_in_dim3A_58 = arith.constant -1 : i32
    %broadcast_in_dim3A_59 = vector.broadcast %broadcast_in_dim3A_58 : i32 to vector<4x1xi32>
    %slice3A_60 = vector.extract_strided_slice %max3A_57 {offsets = [0, 0], sizes = [4, 2047], strides = [1, 1]} : vector<4x2048xi32> to vector<4x2047xi32>
    %concatenate3A_61 = tpu.concatenate %broadcast_in_dim3A_59, %slice3A_60 in 1 : vector<4x1xi32>, vector<4x2047xi32> -> vector<4x2048xi32>
    %ge3A = arith.constant 0 : i32
    %ge3A_62 = vector.broadcast %ge3A : i32 to vector<4x2048xi32>
    %ge3A_63 = arith.cmpi sge, %concatenate3A_61, %ge3A_62 : vector<4x2048xi32>
    %and3A = arith.constant 31 : i32
    %and3A_64 = vector.broadcast %and3A : i32 to vector<4x2048xi32>
    %and3A_65 = arith.andi %concatenate3A_61, %and3A_64 : vector<4x2048xi32>
    %jit3A_66 = arith.constant -1 : i32
    %broadcast_in_dim3A_67 = vector.broadcast %jit3A_66 : i32 to vector<4x2048xi32>
    %select_n3A_68 = arith.select %ge3A_63, %and3A_65, %broadcast_in_dim3A_67 : vector<4x2048xi1>, vector<4x2048xi32>
    %ne3A_69 = arith.constant 0 : i32
    %ne3A_70 = vector.broadcast %ne3A_69 : i32 to vector<4x2048xi32>
    %ne3A_71 = arith.cmpi ne, %get3A_1, %ne3A_70 : vector<4x2048xi32>
    %ne3A_72 = arith.cmpi ne, %get3A_1, %select_n3A_68 : vector<4x2048xi32>
    %and3A_73 = arith.andi %ne3A_71, %ne3A_72 : vector<4x2048xi1>
    %jit3A_74 = arith.constant 1.200000e+00 : f32
    %jit3A_75 = arith.constant 1.000000e+00 : f32
    %broadcast_in_dim3A_76 = vector.broadcast %jit3A_74 : f32 to vector<4x2048xf32>
    %broadcast_in_dim3A_77 = vector.broadcast %jit3A_75 : f32 to vector<4x2048xf32>
    %select_n3A_78 = arith.select %and3A_73, %broadcast_in_dim3A_76, %broadcast_in_dim3A_77 : vector<4x2048xi1>, vector<4x2048xf32>
    %get3A_79 = arith.constant 0 : index
    %get3A_80 = arith.constant 0 : index
    %get3A_81 = vector.load %arg1[%get3A_79, %get3A_80] : memref<4x2048xi32, #tpu.memory_space<vmem>>, vector<4x2048xi32>
    %convert_element_type3A = arith.sitofp %get3A_81 : vector<4x2048xi32> to vector<4x2048xf32>
    %concatenate3A_82 = tpu.concatenate %select_n3A_78, %convert_element_type3A in 0 : vector<4x2048xf32>, vector<4x2048xf32> -> vector<8x2048xf32>
    %transpose3A = tpu.transpose %concatenate3A_82, [1, 0] : vector<8x2048xf32> -> vector<2048x8xf32>
    %swap3A = arith.constant 0 : index
    %swap3A_83 = arith.constant 0 : index
    %swap3A_84 = vector.load %arg2[%swap3A, %swap3A_83] : memref<2048x8xf32, #tpu.memory_space<vmem>>, vector<2048x8xf32>
    tpu.vector_store %arg2[%swap3A, %swap3A_83], %transpose3A {strides = array<i32>} : memref<2048x8xf32, #tpu.memory_space<vmem>>, vector<2048x8xf32>,
    return
  }
}

module attributes {stable_mosaic.version = 14 : i64} {
  func.func @_tc_body(%arg0: i32, %arg1: memref<4x1024x128xf32, #tpu.memory_space<vmem>>, %arg2: memref<1024x8xf32, #tpu.memory_space<vmem>>, %arg3: memref<1024x128xf32, #tpu.memory_space<vmem>>, %arg4: memref<4x128xf32, #tpu.memory_space<vmem>>, %arg5: memref<128xf32, #tpu.memory_space<vmem>>, %arg6: memref<128xf32, #tpu.memory_space<vmem>>, %arg7: memref<4x1024x128xf32, #tpu.memory_space<vmem>>) attributes {dimension_semantics = [#tpu.dimension_semantics<arbitrary>], iteration_bounds = array<i64: 2>, scalar_prefetch = 0 : i64, scratch_operands = 0 : i64, tpu.core_type = #tpu.core_type<tc>, window_params = [{transform_indices = @transform_0, window_bounds = array<i64: 4, 1024, 128>}, {transform_indices = @transform_1, window_bounds = array<i64: 1024, 8>}, {transform_indices = @transform_2, window_bounds = array<i64: 1024, 128>}, {pipeline_mode = #tpu.pipeline_mode<synchronous>, transform_indices = @transform_3, window_bounds = array<i64: 4, 128>}, {pipeline_mode = #tpu.pipeline_mode<synchronous>, transform_indices = @transform_4, window_bounds = array<i64: 128>}, {pipeline_mode = #tpu.pipeline_mode<synchronous>, transform_indices = @transform_5, window_bounds = array<i64: 128>}, {transform_indices = @transform_6, window_bounds = array<i64: 4, 1024, 128>}]} {
    %get3A = arith.constant 0 : index
    %get3A_0 = arith.constant 0 : index
    %get3A_1 = vector.load %arg3[%get3A, %get3A_0] : memref<1024x128xf32, #tpu.memory_space<vmem>>, vector<1024x128xf32>
    %get3A_2 = arith.constant 0 : index
    %get3A_3 = arith.constant 0 : index
    %get3A_4 = vector.load %arg4[%get3A_2, %get3A_3] : memref<4x128xf32, #tpu.memory_space<vmem>>, vector<4x128xf32>
    %get3A_5 = arith.constant 0 : index
    %get3A_6 = vector.load %arg5[%get3A_5] : memref<128xf32, #tpu.memory_space<vmem>>, vector<128xf32>
    %get3A_7 = arith.constant 0 : index
    %get3A_8 = vector.load %arg6[%get3A_7] : memref<128xf32, #tpu.memory_space<vmem>>, vector<128xf32>
    %broadcast_in_dim3A = arith.constant 7.812500e-03 : f32
    %broadcast_in_dim3A_9 = vector.broadcast %broadcast_in_dim3A : f32 to vector<128x128xf32>
    %get3A_10 = arith.constant 0 : index
    %get3A_11 = arith.constant 0 : index
    %get3A_12 = vector.load %arg2[%get3A_10, %get3A_11] : memref<1024x8xf32, #tpu.memory_space<vmem>>, vector<1024x8xf32>
    %iota3A = tpu.iota {dimensions = array<i32: 1>} : vector<1024x4xi32>
    %convert_element_type3A = arith.sitofp %iota3A : vector<1024x4xi32> to vector<1024x4xf32>
    %get3A_13 = arith.constant 0 : index
    %get3A_14 = arith.constant 0 : index
    %get3A_15 = arith.constant 0 : index
    %get3A_16 = vector.load %arg1[%get3A_13, %get3A_14, %get3A_15] : memref<4x1024x128xf32, #tpu.memory_space<vmem>>, vector<1x1024x128xf32>
    %get3A_17 = vector.shape_cast %get3A_16 : vector<1x1024x128xf32> to vector<1024x128xf32>
    %slice3A = vector.extract_strided_slice %get3A_12 {offsets = [0, 0], sizes = [1024, 1], strides = [1, 1]} : vector<1024x8xf32> to vector<1024x1xf32>
    %slice3A_18 = vector.extract_strided_slice %get3A_12 {offsets = [0, 4], sizes = [1024, 1], strides = [1, 1]} : vector<1024x8xf32> to vector<1024x1xf32>
    %eq3A = vector.broadcast %slice3A_18 : vector<1024x1xf32> to vector<1024x4xf32>
    %eq3A_19 = arith.cmpf oeq, %eq3A, %convert_element_type3A : vector<1024x4xf32>
    %convert_element_type3A_20 = arith.extui %eq3A_19 : vector<1024x4xi1> to vector<1024x4xi32>
    %convert_element_type3A_21 = arith.sitofp %convert_element_type3A_20 : vector<1024x4xi32> to vector<1024x4xf32>
    %dot_general3A = arith.constant dense<0.000000e+00> : vector<1024x128xf32>
    %dot_general3A_22 = tpu.matmul %convert_element_type3A_21, %get3A_4, %dot_general3A {dimension_numbers = #tpu.dot_dimension_numbers<[1], [0], [0], [1], [0, 0, 1, 1], [], []>, transpose_lhs_hint = false} : vector<1024x4xf32>, vector<4x128xf32>, vector<1024x128xf32> -> vector<1024x128xf32>
    %mul3A = arith.constant 11.3137083 : f32
    %mul3A_23 = vector.broadcast %mul3A : f32 to vector<1024x128xf32>
    %mul3A_24 = arith.mulf %get3A_17, %mul3A_23 : vector<1024x128xf32>
    %mul3A_25 = vector.broadcast %slice3A : vector<1024x1xf32> to vector<1024x128xf32>
    %mul3A_26 = arith.mulf %get3A_1, %mul3A_25 : vector<1024x128xf32>
    %add3A = arith.addf %mul3A_24, %mul3A_26 : vector<1024x128xf32>
    %add3A_27 = arith.addf %add3A, %dot_general3A_22 : vector<1024x128xf32>
    %dot_general3A_28 = arith.constant dense<0.000000e+00> : vector<1024x128xf32>
    %dot_general3A_29 = tpu.matmul %add3A_27, %broadcast_in_dim3A_9, %dot_general3A_28 {dimension_numbers = #tpu.dot_dimension_numbers<[1], [0], [0], [1], [0, 0, 1, 1], [], []>, transpose_lhs_hint = false} : vector<1024x128xf32>, vector<128x128xf32>, vector<1024x128xf32> -> vector<1024x128xf32>
    %mul3A_30 = arith.mulf %add3A_27, %add3A_27 : vector<1024x128xf32>
    %dot_general3A_31 = arith.constant dense<0.000000e+00> : vector<1024x128xf32>
    %dot_general3A_32 = tpu.matmul %mul3A_30, %broadcast_in_dim3A_9, %dot_general3A_31 {dimension_numbers = #tpu.dot_dimension_numbers<[1], [0], [0], [1], [0, 0, 1, 1], [], []>, transpose_lhs_hint = false} : vector<1024x128xf32>, vector<128x128xf32>, vector<1024x128xf32> -> vector<1024x128xf32>
    %mul3A_33 = arith.mulf %dot_general3A_29, %dot_general3A_29 : vector<1024x128xf32>
    %sub3A = arith.subf %dot_general3A_32, %mul3A_33 : vector<1024x128xf32>
    %add3A_34 = arith.constant 9.99999974E-6 : f32
    %add3A_35 = vector.broadcast %add3A_34 : f32 to vector<1024x128xf32>
    %add3A_36 = arith.addf %sub3A, %add3A_35 : vector<1024x128xf32>
    %rsqrt3A = math.rsqrt %add3A_36 : vector<1024x128xf32>
    %sub3A_37 = arith.subf %add3A_27, %dot_general3A_29 : vector<1024x128xf32>
    %mul3A_38 = arith.mulf %sub3A_37, %rsqrt3A : vector<1024x128xf32>
    %broadcast_in_dim3A_39 = vector.shape_cast %get3A_6 : vector<128xf32> to vector<1x128xf32>
    %mul3A_40 = vector.broadcast %broadcast_in_dim3A_39 : vector<1x128xf32> to vector<1024x128xf32>
    %mul3A_41 = arith.mulf %mul3A_38, %mul3A_40 : vector<1024x128xf32>
    %broadcast_in_dim3A_42 = vector.shape_cast %get3A_8 : vector<128xf32> to vector<1x128xf32>
    %add3A_43 = vector.broadcast %broadcast_in_dim3A_42 : vector<1x128xf32> to vector<1024x128xf32>
    %add3A_44 = arith.addf %mul3A_41, %add3A_43 : vector<1024x128xf32>
    %swap3A = arith.constant 0 : index
    %swap3A_45 = arith.constant 0 : index
    %swap3A_46 = arith.constant 0 : index
    %swap3A_47 = vector.load %arg7[%swap3A, %swap3A_45, %swap3A_46] : memref<4x1024x128xf32, #tpu.memory_space<vmem>>, vector<1x1024x128xf32>
    %swap3A_48 = vector.shape_cast %swap3A_47 : vector<1x1024x128xf32> to vector<1024x128xf32>
    %swap3A_49 = vector.shape_cast %add3A_44 : vector<1024x128xf32> to vector<1x1024x128xf32>
    tpu.vector_store %arg7[%swap3A, %swap3A_45, %swap3A_46], %swap3A_49 {strides = array<i32>} : memref<4x1024x128xf32, #tpu.memory_space<vmem>>, vector<1x1024x128xf32>,
    %get3A_50 = arith.constant 1 : index
    %get3A_51 = arith.constant 0 : index
    %get3A_52 = arith.constant 0 : index
    %get3A_53 = vector.load %arg1[%get3A_50, %get3A_51, %get3A_52] : memref<4x1024x128xf32, #tpu.memory_space<vmem>>, vector<1x1024x128xf32>
    %get3A_54 = vector.shape_cast %get3A_53 : vector<1x1024x128xf32> to vector<1024x128xf32>
    %slice3A_55 = vector.extract_strided_slice %get3A_12 {offsets = [0, 1], sizes = [1024, 1], strides = [1, 1]} : vector<1024x8xf32> to vector<1024x1xf32>
    %slice3A_56 = vector.extract_strided_slice %get3A_12 {offsets = [0, 5], sizes = [1024, 1], strides = [1, 1]} : vector<1024x8xf32> to vector<1024x1xf32>
    %eq3A_57 = vector.broadcast %slice3A_56 : vector<1024x1xf32> to vector<1024x4xf32>
    %eq3A_58 = arith.cmpf oeq, %eq3A_57, %convert_element_type3A : vector<1024x4xf32>
    %convert_element_type3A_59 = arith.extui %eq3A_58 : vector<1024x4xi1> to vector<1024x4xi32>
    %convert_element_type3A_60 = arith.sitofp %convert_element_type3A_59 : vector<1024x4xi32> to vector<1024x4xf32>
    %dot_general3A_61 = arith.constant dense<0.000000e+00> : vector<1024x128xf32>
    %dot_general3A_62 = tpu.matmul %convert_element_type3A_60, %get3A_4, %dot_general3A_61 {dimension_numbers = #tpu.dot_dimension_numbers<[1], [0], [0], [1], [0, 0, 1, 1], [], []>, transpose_lhs_hint = false} : vector<1024x4xf32>, vector<4x128xf32>, vector<1024x128xf32> -> vector<1024x128xf32>
    %mul3A_63 = arith.constant 11.3137083 : f32
    %mul3A_64 = vector.broadcast %mul3A_63 : f32 to vector<1024x128xf32>
    %mul3A_65 = arith.mulf %get3A_54, %mul3A_64 : vector<1024x128xf32>
    %mul3A_66 = vector.broadcast %slice3A_55 : vector<1024x1xf32> to vector<1024x128xf32>
    %mul3A_67 = arith.mulf %get3A_1, %mul3A_66 : vector<1024x128xf32>
    %add3A_68 = arith.addf %mul3A_65, %mul3A_67 : vector<1024x128xf32>
    %add3A_69 = arith.addf %add3A_68, %dot_general3A_62 : vector<1024x128xf32>
    %dot_general3A_70 = arith.constant dense<0.000000e+00> : vector<1024x128xf32>
    %dot_general3A_71 = tpu.matmul %add3A_69, %broadcast_in_dim3A_9, %dot_general3A_70 {dimension_numbers = #tpu.dot_dimension_numbers<[1], [0], [0], [1], [0, 0, 1, 1], [], []>, transpose_lhs_hint = false} : vector<1024x128xf32>, vector<128x128xf32>, vector<1024x128xf32> -> vector<1024x128xf32>
    %mul3A_72 = arith.mulf %add3A_69, %add3A_69 : vector<1024x128xf32>
    %dot_general3A_73 = arith.constant dense<0.000000e+00> : vector<1024x128xf32>
    %dot_general3A_74 = tpu.matmul %mul3A_72, %broadcast_in_dim3A_9, %dot_general3A_73 {dimension_numbers = #tpu.dot_dimension_numbers<[1], [0], [0], [1], [0, 0, 1, 1], [], []>, transpose_lhs_hint = false} : vector<1024x128xf32>, vector<128x128xf32>, vector<1024x128xf32> -> vector<1024x128xf32>
    %mul3A_75 = arith.mulf %dot_general3A_71, %dot_general3A_71 : vector<1024x128xf32>
    %sub3A_76 = arith.subf %dot_general3A_74, %mul3A_75 : vector<1024x128xf32>
    %add3A_77 = arith.constant 9.99999974E-6 : f32
    %add3A_78 = vector.broadcast %add3A_77 : f32 to vector<1024x128xf32>
    %add3A_79 = arith.addf %sub3A_76, %add3A_78 : vector<1024x128xf32>
    %rsqrt3A_80 = math.rsqrt %add3A_79 : vector<1024x128xf32>
    %sub3A_81 = arith.subf %add3A_69, %dot_general3A_71 : vector<1024x128xf32>
    %mul3A_82 = arith.mulf %sub3A_81, %rsqrt3A_80 : vector<1024x128xf32>
    %broadcast_in_dim3A_83 = vector.shape_cast %get3A_6 : vector<128xf32> to vector<1x128xf32>
    %mul3A_84 = vector.broadcast %broadcast_in_dim3A_83 : vector<1x128xf32> to vector<1024x128xf32>
    %mul3A_85 = arith.mulf %mul3A_82, %mul3A_84 : vector<1024x128xf32>
    %broadcast_in_dim3A_86 = vector.shape_cast %get3A_8 : vector<128xf32> to vector<1x128xf32>
    %add3A_87 = vector.broadcast %broadcast_in_dim3A_86 : vector<1x128xf32> to vector<1024x128xf32>
    %add3A_88 = arith.addf %mul3A_85, %add3A_87 : vector<1024x128xf32>
    %swap3A_89 = arith.constant 1 : index
    %swap3A_90 = arith.constant 0 : index
    %swap3A_91 = arith.constant 0 : index
    %swap3A_92 = vector.load %arg7[%swap3A_89, %swap3A_90, %swap3A_91] : memref<4x1024x128xf32, #tpu.memory_space<vmem>>, vector<1x1024x128xf32>
    %swap3A_93 = vector.shape_cast %swap3A_92 : vector<1x1024x128xf32> to vector<1024x128xf32>
    %swap3A_94 = vector.shape_cast %add3A_88 : vector<1024x128xf32> to vector<1x1024x128xf32>
    tpu.vector_store %arg7[%swap3A_89, %swap3A_90, %swap3A_91], %swap3A_94 {strides = array<i32>} : memref<4x1024x128xf32, #tpu.memory_space<vmem>>, vector<1x1024x128xf32>,
    %get3A_95 = arith.constant 2 : index
    %get3A_96 = arith.constant 0 : index
    %get3A_97 = arith.constant 0 : index
    %get3A_98 = vector.load %arg1[%get3A_95, %get3A_96, %get3A_97] : memref<4x1024x128xf32, #tpu.memory_space<vmem>>, vector<1x1024x128xf32>
    %get3A_99 = vector.shape_cast %get3A_98 : vector<1x1024x128xf32> to vector<1024x128xf32>
    %slice3A_100 = vector.extract_strided_slice %get3A_12 {offsets = [0, 2], sizes = [1024, 1], strides = [1, 1]} : vector<1024x8xf32> to vector<1024x1xf32>
    %slice3A_101 = vector.extract_strided_slice %get3A_12 {offsets = [0, 6], sizes = [1024, 1], strides = [1, 1]} : vector<1024x8xf32> to vector<1024x1xf32>
    %eq3A_102 = vector.broadcast %slice3A_101 : vector<1024x1xf32> to vector<1024x4xf32>
    %eq3A_103 = arith.cmpf oeq, %eq3A_102, %convert_element_type3A : vector<1024x4xf32>
    %convert_element_type3A_104 = arith.extui %eq3A_103 : vector<1024x4xi1> to vector<1024x4xi32>
    %convert_element_type3A_105 = arith.sitofp %convert_element_type3A_104 : vector<1024x4xi32> to vector<1024x4xf32>
    %dot_general3A_106 = arith.constant dense<0.000000e+00> : vector<1024x128xf32>
    %dot_general3A_107 = tpu.matmul %convert_element_type3A_105, %get3A_4, %dot_general3A_106 {dimension_numbers = #tpu.dot_dimension_numbers<[1], [0], [0], [1], [0, 0, 1, 1], [], []>, transpose_lhs_hint = false} : vector<1024x4xf32>, vector<4x128xf32>, vector<1024x128xf32> -> vector<1024x128xf32>
    %mul3A_108 = arith.constant 11.3137083 : f32
    %mul3A_109 = vector.broadcast %mul3A_108 : f32 to vector<1024x128xf32>
    %mul3A_110 = arith.mulf %get3A_99, %mul3A_109 : vector<1024x128xf32>
    %mul3A_111 = vector.broadcast %slice3A_100 : vector<1024x1xf32> to vector<1024x128xf32>
    %mul3A_112 = arith.mulf %get3A_1, %mul3A_111 : vector<1024x128xf32>
    %add3A_113 = arith.addf %mul3A_110, %mul3A_112 : vector<1024x128xf32>
    %add3A_114 = arith.addf %add3A_113, %dot_general3A_107 : vector<1024x128xf32>
    %dot_general3A_115 = arith.constant dense<0.000000e+00> : vector<1024x128xf32>
    %dot_general3A_116 = tpu.matmul %add3A_114, %broadcast_in_dim3A_9, %dot_general3A_115 {dimension_numbers = #tpu.dot_dimension_numbers<[1], [0], [0], [1], [0, 0, 1, 1], [], []>, transpose_lhs_hint = false} : vector<1024x128xf32>, vector<128x128xf32>, vector<1024x128xf32> -> vector<1024x128xf32>
    %mul3A_117 = arith.mulf %add3A_114, %add3A_114 : vector<1024x128xf32>
    %dot_general3A_118 = arith.constant dense<0.000000e+00> : vector<1024x128xf32>
    %dot_general3A_119 = tpu.matmul %mul3A_117, %broadcast_in_dim3A_9, %dot_general3A_118 {dimension_numbers = #tpu.dot_dimension_numbers<[1], [0], [0], [1], [0, 0, 1, 1], [], []>, transpose_lhs_hint = false} : vector<1024x128xf32>, vector<128x128xf32>, vector<1024x128xf32> -> vector<1024x128xf32>
    %mul3A_120 = arith.mulf %dot_general3A_116, %dot_general3A_116 : vector<1024x128xf32>
    %sub3A_121 = arith.subf %dot_general3A_119, %mul3A_120 : vector<1024x128xf32>
    %add3A_122 = arith.constant 9.99999974E-6 : f32
    %add3A_123 = vector.broadcast %add3A_122 : f32 to vector<1024x128xf32>
    %add3A_124 = arith.addf %sub3A_121, %add3A_123 : vector<1024x128xf32>
    %rsqrt3A_125 = math.rsqrt %add3A_124 : vector<1024x128xf32>
    %sub3A_126 = arith.subf %add3A_114, %dot_general3A_116 : vector<1024x128xf32>
    %mul3A_127 = arith.mulf %sub3A_126, %rsqrt3A_125 : vector<1024x128xf32>
    %broadcast_in_dim3A_128 = vector.shape_cast %get3A_6 : vector<128xf32> to vector<1x128xf32>
    %mul3A_129 = vector.broadcast %broadcast_in_dim3A_128 : vector<1x128xf32> to vector<1024x128xf32>
    %mul3A_130 = arith.mulf %mul3A_127, %mul3A_129 : vector<1024x128xf32>
    %broadcast_in_dim3A_131 = vector.shape_cast %get3A_8 : vector<128xf32> to vector<1x128xf32>
    %add3A_132 = vector.broadcast %broadcast_in_dim3A_131 : vector<1x128xf32> to vector<1024x128xf32>
    %add3A_133 = arith.addf %mul3A_130, %add3A_132 : vector<1024x128xf32>
    %swap3A_134 = arith.constant 2 : index
    %swap3A_135 = arith.constant 0 : index
    %swap3A_136 = arith.constant 0 : index
    %swap3A_137 = vector.load %arg7[%swap3A_134, %swap3A_135, %swap3A_136] : memref<4x1024x128xf32, #tpu.memory_space<vmem>>, vector<1x1024x128xf32>
    %swap3A_138 = vector.shape_cast %swap3A_137 : vector<1x1024x128xf32> to vector<1024x128xf32>
    %swap3A_139 = vector.shape_cast %add3A_133 : vector<1024x128xf32> to vector<1x1024x128xf32>
    tpu.vector_store %arg7[%swap3A_134, %swap3A_135, %swap3A_136], %swap3A_139 {strides = array<i32>} : memref<4x1024x128xf32, #tpu.memory_space<vmem>>, vector<1x1024x128xf32>,
    %get3A_140 = arith.constant 3 : index
    %get3A_141 = arith.constant 0 : index
    %get3A_142 = arith.constant 0 : index
    %get3A_143 = vector.load %arg1[%get3A_140, %get3A_141, %get3A_142] : memref<4x1024x128xf32, #tpu.memory_space<vmem>>, vector<1x1024x128xf32>
    %get3A_144 = vector.shape_cast %get3A_143 : vector<1x1024x128xf32> to vector<1024x128xf32>
    %slice3A_145 = vector.extract_strided_slice %get3A_12 {offsets = [0, 3], sizes = [1024, 1], strides = [1, 1]} : vector<1024x8xf32> to vector<1024x1xf32>
    %slice3A_146 = vector.extract_strided_slice %get3A_12 {offsets = [0, 7], sizes = [1024, 1], strides = [1, 1]} : vector<1024x8xf32> to vector<1024x1xf32>
    %eq3A_147 = vector.broadcast %slice3A_146 : vector<1024x1xf32> to vector<1024x4xf32>
    %eq3A_148 = arith.cmpf oeq, %eq3A_147, %convert_element_type3A : vector<1024x4xf32>
    %convert_element_type3A_149 = arith.extui %eq3A_148 : vector<1024x4xi1> to vector<1024x4xi32>
    %convert_element_type3A_150 = arith.sitofp %convert_element_type3A_149 : vector<1024x4xi32> to vector<1024x4xf32>
    %dot_general3A_151 = arith.constant dense<0.000000e+00> : vector<1024x128xf32>
    %dot_general3A_152 = tpu.matmul %convert_element_type3A_150, %get3A_4, %dot_general3A_151 {dimension_numbers = #tpu.dot_dimension_numbers<[1], [0], [0], [1], [0, 0, 1, 1], [], []>, transpose_lhs_hint = false} : vector<1024x4xf32>, vector<4x128xf32>, vector<1024x128xf32> -> vector<1024x128xf32>
    %mul3A_153 = arith.constant 11.3137083 : f32
    %mul3A_154 = vector.broadcast %mul3A_153 : f32 to vector<1024x128xf32>
    %mul3A_155 = arith.mulf %get3A_144, %mul3A_154 : vector<1024x128xf32>
    %mul3A_156 = vector.broadcast %slice3A_145 : vector<1024x1xf32> to vector<1024x128xf32>
    %mul3A_157 = arith.mulf %get3A_1, %mul3A_156 : vector<1024x128xf32>
    %add3A_158 = arith.addf %mul3A_155, %mul3A_157 : vector<1024x128xf32>
    %add3A_159 = arith.addf %add3A_158, %dot_general3A_152 : vector<1024x128xf32>
    %dot_general3A_160 = arith.constant dense<0.000000e+00> : vector<1024x128xf32>
    %dot_general3A_161 = tpu.matmul %add3A_159, %broadcast_in_dim3A_9, %dot_general3A_160 {dimension_numbers = #tpu.dot_dimension_numbers<[1], [0], [0], [1], [0, 0, 1, 1], [], []>, transpose_lhs_hint = false} : vector<1024x128xf32>, vector<128x128xf32>, vector<1024x128xf32> -> vector<1024x128xf32>
    %mul3A_162 = arith.mulf %add3A_159, %add3A_159 : vector<1024x128xf32>
    %dot_general3A_163 = arith.constant dense<0.000000e+00> : vector<1024x128xf32>
    %dot_general3A_164 = tpu.matmul %mul3A_162, %broadcast_in_dim3A_9, %dot_general3A_163 {dimension_numbers = #tpu.dot_dimension_numbers<[1], [0], [0], [1], [0, 0, 1, 1], [], []>, transpose_lhs_hint = false} : vector<1024x128xf32>, vector<128x128xf32>, vector<1024x128xf32> -> vector<1024x128xf32>
    %mul3A_165 = arith.mulf %dot_general3A_161, %dot_general3A_161 : vector<1024x128xf32>
    %sub3A_166 = arith.subf %dot_general3A_164, %mul3A_165 : vector<1024x128xf32>
    %add3A_167 = arith.constant 9.99999974E-6 : f32
    %add3A_168 = vector.broadcast %add3A_167 : f32 to vector<1024x128xf32>
    %add3A_169 = arith.addf %sub3A_166, %add3A_168 : vector<1024x128xf32>
    %rsqrt3A_170 = math.rsqrt %add3A_169 : vector<1024x128xf32>
    %sub3A_171 = arith.subf %add3A_159, %dot_general3A_161 : vector<1024x128xf32>
    %mul3A_172 = arith.mulf %sub3A_171, %rsqrt3A_170 : vector<1024x128xf32>
    %broadcast_in_dim3A_173 = vector.shape_cast %get3A_6 : vector<128xf32> to vector<1x128xf32>
    %mul3A_174 = vector.broadcast %broadcast_in_dim3A_173 : vector<1x128xf32> to vector<1024x128xf32>
    %mul3A_175 = arith.mulf %mul3A_172, %mul3A_174 : vector<1024x128xf32>
    %broadcast_in_dim3A_176 = vector.shape_cast %get3A_8 : vector<128xf32> to vector<1x128xf32>
    %add3A_177 = vector.broadcast %broadcast_in_dim3A_176 : vector<1x128xf32> to vector<1024x128xf32>
    %add3A_178 = arith.addf %mul3A_175, %add3A_177 : vector<1024x128xf32>
    %swap3A_179 = arith.constant 3 : index
    %swap3A_180 = arith.constant 0 : index
    %swap3A_181 = arith.constant 0 : index
    %swap3A_182 = vector.load %arg7[%swap3A_179, %swap3A_180, %swap3A_181] : memref<4x1024x128xf32, #tpu.memory_space<vmem>>, vector<1x1024x128xf32>
    %swap3A_183 = vector.shape_cast %swap3A_182 : vector<1x1024x128xf32> to vector<1024x128xf32>
    %swap3A_184 = vector.shape_cast %add3A_178 : vector<1024x128xf32> to vector<1x1024x128xf32>
    tpu.vector_store %arg7[%swap3A_179, %swap3A_180, %swap3A_181], %swap3A_184 {strides = array<i32>} : memref<4x1024x128xf32, #tpu.memory_space<vmem>>, vector<1x1024x128xf32>,
    return
  }
  func.func @transform_0(%arg0: i32) -> (i32, i32, i32) {
    %c0_i32 = arith.constant 0 : i32
    %c0_i32_0 = arith.constant 0 : i32
    %c0_i32_1 = arith.constant 0 : i32
    return %c0_i32, %arg0, %c0_i32_0 : i32, i32, i32
  }
  func.func @transform_1(%arg0: i32) -> (i32, i32) {
    %c0_i32 = arith.constant 0 : i32
    %c0_i32_0 = arith.constant 0 : i32
    return %arg0, %c0_i32 : i32, i32
  }
  func.func @transform_2(%arg0: i32) -> (i32, i32) {
    %c0_i32 = arith.constant 0 : i32
    %c0_i32_0 = arith.constant 0 : i32
    return %arg0, %c0_i32 : i32, i32
  }
  func.func @transform_3(%arg0: i32) -> (i32, i32) {
    %c0_i32 = arith.constant 0 : i32
    %c0_i32_0 = arith.constant 0 : i32
    %c0_i32_1 = arith.constant 0 : i32
    return %c0_i32, %c0_i32_0 : i32, i32
  }
  func.func @transform_4(%arg0: i32) -> i32 {
    %c0_i32 = arith.constant 0 : i32
    %c0_i32_0 = arith.constant 0 : i32
    return %c0_i32 : i32
  }
  func.func @transform_5(%arg0: i32) -> i32 {
    %c0_i32 = arith.constant 0 : i32
    %c0_i32_0 = arith.constant 0 : i32
    return %c0_i32 : i32
  }
  func.func @transform_6(%arg0: i32) -> (i32, i32, i32) {
    %c0_i32 = arith.constant 0 : i32
    %c0_i32_0 = arith.constant 0 : i32
    %c0_i32_1 = arith.constant 0 : i32
    return %c0_i32, %arg0, %c0_i32_0 : i32, i32, i32
  }
}

</mosaic_0001>

<sc_bundles>
// kernel: kernel.5.cloned.1.call-start
scs
__scs_entry_jumppad:
0x0: {  	(pc) =	sbr.rel $0x88, $3  }
0x1: {  	(tag) =	ssettag $0x0;
	lr =	simm.s32 $0x1  }
0x2: {  	[smem:$0x3F9A] =	sst lr;
	_ =	strace $0xD0000000  }
0x3: {  	_ = 	snop  }
0x4: {  	_ = 	snop  }
0x5: {  	_ = 	snop  }
0x6: {  	_ = 	snop  }
0x7: {  	_ = 	snop  }
__scs_overlays_trampoline_lowered:
0x8: {  	[smem:$0x3FA9] =	sst s0  }
0x9: {  	[smem:$0x3FAA] =	sst s1  }
0xa: {  	[smem:$0x3FAB] =	sst s2  }
0xb: {  	[smem:$0x3FAC] =	sst s3  }
0xc: {  	[smem:$0x3FAD] =	sst s4  }
0xd: {  	[smem:$0x3FAE] =	sst s5  }
0xe: {  	[smem:$0x3FAF] =	sst s6  }
0xf: {  	[smem:$0x3FB0] =	sst s7  }
0x10: {  	[smem:$0x3FB1] =	sst s8  }
0x11: {  	[smem:$0x3FB2] =	sst s9;
	s0 =	simm.s32 @!p0 $0x0  }
0x12: {  	s1 =	sld [smem:$0x3F98];
	s0 =	simm.s32 @p0 $0x1  }
0x13: {  	[smem:$0x3FB3] =	sst s0;
	s0 =	simm.s32 @!p1 $0x0  }
0x14: {  	s2 =	sld [smem:$0x3F97];
	s0 =	simm.s32 @p1 $0x1  }
0x15: {  	[smem:$0x3FB4] =	sst s0;
	s0 =	simm.s32 @!p2 $0x0  }
0x16: {  	s3 =	sld [smem:$0x3FDB];
	s0 =	simm.s32 @p2 $0x1  }
0x17: {  	s4 =	simm.s32 $0x1BF5;
	[smem:$0x3FB6] =	sst s0  }
0x18: {  	s0 =	sld [smem:$0x3F99];
	_ =	swait.ge [sflag:s4], $0x0  }
0x19: {  	s7 =	sld [smem:$0x3F9A]  }
0x1a: {  	s8 =	sadd.s32 $0xFFFFE003, lr  }
0x1b: {  	s9 =	sadd.s32 $0xFFFFFEF7, lr;
	s5 =	simm.s32 $0xFFFFFFFF;
	p2 =	slt.u32 s8, $0xFFFFF086  }
0x1c: {  	p1 =	slt.u32 s9, $0xF7A;
	s5 =	simm.s32 @!p2 $0x0  }
0x1d: {  	s5 =	simm.s32 @p1 $0x1;
	p0 =	seq.s32 s7, s2  }
0x1e: {  	s7 =	smul.u32 @!p0 $0xF7A, s2;
	p2 =	seq.s32 @!p0 s5, $0x0  }
0x1f: {  	s9 =	smul.u32 $0xF7A, s1;
	s8 =	simm.s32 @!p0 $0x1BF5;
	p2 =	por !p2, p0  }
0x20: {  	[sflag:s8] =	ssyncset.s32 @!p0 $0xFFFFF086;
	s6 =	sadd.s32 @!p0 s3, s7;
	s7 =	simm.s32 @!p0 $0x108  }
0x21: {  	s3 =	sadd.s32 s3, s9;
	s6 =	sadd.s32 @!p0 $0x88, s6;
	s7 =	simm.s32 @p2 $0x1082  }
0x22: {  	[simem:s7], [sflag:s8] =	dma.local @!p0 [hbm:s6], $0xF7A  }
0x23: {  	s9 =	sor.u32 $0xD0000000, s2;
	s6 =	simm.s32 $0x108;
	_ =	swait.ge @!p0 [sflag:s8], $0x0  }
0x24: {  	s3 =	sadd.s32 $0x88, s3;
	s6 =	simm.s32 @!p1 $0x1082;
	[sflag:s4] =	ssyncset.s32 $0xFFFFF086  }
0x25: {  	[simem:s6], [sflag:s4] =	dma.local [hbm:s3], $0xF7A  }
0x26: {  	[smem:$0x3F9A] =	sst s1;
	(tag) =	ssettag s2;
	_ =	strace s9  }
0x27: {  	s1 =	sld [smem:$0x3FAA]  }
0x28: {  	s2 =	sld [smem:$0x3FAB]  }
0x29: {  	s4 =	sld [smem:$0x3FAD]  }
0x2a: {  	p0 =	seq.s32 s5, $0x0;
	s5 =	sld [smem:$0x3FAE]  }
0x2b: {  	s6 =	sld [smem:$0x3FAF]  }
0x2c: {  	s7 =	sld [smem:$0x3FB0]  }
0x2d: {  	s3 =	simm.s32 $0x108;
	s8 =	sld [smem:$0x3FB1]  }
0x2e: {  	s3 =	simm.s32 @!p0 $0x1082;
	s9 =	sld [smem:$0x3FB2]  }
0x2f: {  	lr =	sadd.s32 s0, s3;
	s0 =	sld [smem:$0x3FA9]  }
0x30: {  	s3 =	sld [smem:$0x3FAC]  }
0x31: {  	[smem:$0x3FB5] =	sst s10  }
0x32: {  	s10 =	sld [smem:$0x3FB3];
	_ =	sdelay $0x3  }
0x33: {  	p0 =	seq.s32 s10, $0x1;
	s10 =	sld [smem:$0x3FB5];
	_ =	sdelay $0x3  }
0x34: {  	[smem:$0x3FB5] =	sst s10  }
0x35: {  	s10 =	sld [smem:$0x3FB4];
	_ =	sdelay $0x3  }
0x36: {  	p1 =	seq.s32 s10, $0x1;
	s10 =	sld [smem:$0x3FB5];
	_ =	sdelay $0x3  }
0x37: {  	[smem:$0x3FB5] =	sst s10  }
0x38: {  	s10 =	sld [smem:$0x3FB6]  }
0x39: {  	_ = 	snop;
	(pc) =	sbr.ind lr, $3  }
0x3a: {  	_ = 	snop  }
0x3b: {  	_ = 	snop  }
0x3c: {  	p2 =	seq.s32 s10, $0x1;
	s10 =	sld [smem:$0x3FB5]  }
0x3d: {  	_ =	shalt  }
0x3e: {  	_ =	shalt  }
0x3f: {  	_ =	shalt  }
0x40: {  	_ =	shalt  }
0x41: {  	_ =	shalt  }
0x42: {  	_ =	shalt  }
0x43: {  	_ =	shalt  }
0x44: {  	_ =	shalt  }
0x45: {  	_ =	shalt  }
0x46: {  	_ =	shalt  }
0x47: {  	_ =	shalt  }
0x48: {  	_ =	shalt  }
0x49: {  	_ =	shalt  }
0x4a: {  	_ =	shalt  }
0x4b: {  	_ =	shalt  }
0x4c: {  	_ =	shalt  }
0x4d: {  	_ =	shalt  }
0x4e: {  	_ =	shalt  }
0x4f: {  	_ =	shalt  }
0x50: {  	_ =	shalt  }
0x51: {  	_ =	shalt  }
0x52: {  	_ =	shalt  }
0x53: {  	_ =	shalt  }
0x54: {  	_ =	shalt  }
0x55: {  	_ =	shalt  }
0x56: {  	_ =	shalt  }
0x57: {  	_ =	shalt  }
0x58: {  	_ =	shalt  }
0x59: {  	_ =	shalt  }
0x5a: {  	_ =	shalt  }
0x5b: {  	_ =	shalt  }
0x5c: {  	_ =	shalt  }
0x5d: {  	_ =	shalt  }
0x5e: {  	_ =	shalt  }
0x5f: {  	_ =	shalt  }
0x60: {  	_ =	shalt  }
0x61: {  	_ =	shalt  }
0x62: {  	_ =	shalt  }
0x63: {  	_ =	shalt  }
0x64: {  	_ =	shalt  }
0x65: {  	_ =	shalt  }
0x66: {  	_ =	shalt  }
0x67: {  	_ =	shalt  }
0x68: {  	_ =	shalt  }
0x69: {  	_ =	shalt  }
0x6a: {  	_ =	shalt  }
0x6b: {  	_ =	shalt  }
0x6c: {  	_ =	shalt  }
0x6d: {  	_ =	shalt  }
0x6e: {  	_ =	shalt  }
0x6f: {  	_ =	shalt  }
0x70: {  	_ =	shalt  }
0x71: {  	_ =	shalt  }
0x72: {  	_ =	shalt  }
0x73: {  	_ =	shalt  }
0x74: {  	_ =	shalt  }
0x75: {  	_ =	shalt  }
0x76: {  	_ =	shalt  }
0x77: {  	_ =	shalt  }
0x78: {  	_ =	shalt  }
0x79: {  	_ =	shalt  }
0x7a: {  	_ =	shalt  }
0x7b: {  	_ =	shalt  }
0x7c: {  	_ =	shalt  }
0x7d: {  	_ =	shalt  }
0x7e: {  	_ =	shalt  }
0x7f: {  	_ =	shalt  }
0x80: {  	_ =	shalt  }
0x81: {  	_ =	shalt  }
0x82: {  	_ =	shalt  }
0x83: {  	_ =	shalt  }
0x84: {  	_ =	shalt  }
0x85: {  	_ =	shalt  }
0x86: {  	_ =	shalt  }
0x87: {  	_ =	shalt  }
.Lfunc_end0:
.L_simem_size_0:
called_computation_lowered:
.L_overlay_start_0:
0x88: {  	s2 =	sld [smem:$0x3FD9]  }
0x89: {  	s3 =	sld [smem:$0x3FFE];
	_ =	sdelay $0x1  }
0x8a: {  	s1 =	srdreg.scid  }
0x8b: {  	s0 =	sand.u32 $0x1, s1  }
0x8c: {  	s17 =	sshll.u32 s0, $0xA;
	s2 =	sadd.s32 s3, s2  }
0x8d: {  	s2 =	sadd.s32 s2, s17  }
0x8e: {  	[smem:$0x3FC1] =	sst s2  }
0x8f: {  	_ = 	snop  }
0x90: {  	s2 =	sld [smem:$0x3FC6]  }
0x91: {  	s18 =	sld [smem:$0x3FD0];
	(tm) =	ssettm $0x1  }
0x92: {  	s4 =	sld [smem:$0x3FFB];
	_ =	sdelay $0x3  }
0x93: {  	_ =	strace s4  }
0x94: {  	s4 =	sld [smem:$0x3FFC];
	_ =	sdelay $0x3  }
0x95: {  	_ =	strace s4  }
0x96: {  	s4 =	sld [smem:$0x3FFD];
	_ =	sdelay $0x3  }
0x97: {  	_ =	strace s4  }
0x98: {  	_ =	strace $0x8FFFFFFF  }
0x99: {  	s19 =	sld [smem:$0x3FDB];
	_ =	sdelay $0x1  }
0x9a: {  	s5 =	simm.s32 $_scs_section_size  }
0x9b: {  	s6 =	simm.s32 $_size__tile_overlayer_lowered;
	s7 =	simm.s32 $_tile_overlayer_lowered  }
0x9c: {  	s22 =	simm.s32 $0x1BFF;
	s21 =	sshll.u32 s7, $0x1;
	s4 =	sadd.s32 s5, s19  }
0x9d: {  	s8 =	simm.s32 $0x0;
	s20 =	sshll.u32 s6, $0x1;
	s6 =	sadd.s32 s21, s4  }
0x9e: {  	[timem:s8], [sflag:s22] =	dma.local [hbm:s6], s20  }
0x9f: {  	_ =	swait.ge [sflag:s22], s20  }
0xa0: {  	s5 =	ssub.s32 $0x0, s20;
	[sflag:s22] =	ssyncset.done $0x0  }
0xa1: {  	[sflag:s22] =	ssyncadd.s32 s5;
	_ =	sdelay $0x1  }
0xa2: {  	s23 =	simm.s32 $0x1B8B  }
0xa3: {  	_ =	swait.ge [sflag:s23], $0x1  }
0xa4: {  	[sflag:s23] =	ssyncset.done $0x0  }
0xa5: {  	s25 =	simm.s32 $0x1B8E;
	s24 =	sld [smem:$0x3FFE];
	[sflag:s23] =	ssyncadd.s32 $0xFFFFFFFF  }
0xa6: {  	s26 =	simm.s32 $execute0_lowered;
	[smem:$0x3FD2] =	sst s25  }
0xa7: {  	s6 =	sshll.u32 s26, $0x1;
	_ =	strace $0x80000046;
	[dreg:$0x1] =	wrdreg $0xFFFFFFFF  }
0xa8: {  	s28 =	simm.s32 $_size_execute0_lowered;
	s4 =	sadd.s32 s4, s6;
	[dreg:$0x0] =	wrdreg $0x0  }
0xa9: {  	s6 =	sshll.u32 s28, $0x1;
	[dreg:$0x2] =	wrdreg s4  }
0xaa: {  	[dreg:$0x3] =	wrdreg s6  }
0xab: {  	[dreg:$0x4] =	wrdreg $0xC0  }
0xac: {  	_ =	task [dreg:s8], $0x5FFFF  }
0xad: {  	[dreg:$0x1] =	wrdreg $0xFFFFFFFF  }
0xae: {  	[dreg:$0x0] =	wrdreg $0x60  }
0xaf: {  	[dreg:$0x2] =	wrdreg s2  }
0xb0: {  	[dreg:$0x3] =	wrdreg s24  }
0xb1: {  	[dreg:$0x4] =	wrdreg s18  }
0xb2: {  	[dreg:$0x5] =	wrdreg $0x9  }
0xb3: {  	_ =	task.clear_ibuf [dreg:s8], $0x6FFFF;
	_ =	strace $0x90000046  }
0xb4: {  	s29 =	simm.s32 $0x9;
	_ =	strace $0x80000048  }
0xb5: {  	_ =	swait.ge [sflag:s29], $0x1  }
0xb6: {  	[sflag:s29] =	ssyncadd.s32 $0xFFFFFFFF  }
0xb7: {  	_ =	strace $0x90000048  }
0xb8: {  	_ =	sfence  }
0xb9: {  	s30 =	sld [smem:$0x0];
	_ =	sdelay $0x2  }
0xba: {  	s31 =	sshll.u32 s1, $0xD;
	s1 =	sshrl.u32 s1, $0x2  }
0xbb: {  	s3 =	sand.u32 $0x4000, s31;
	s1 =	sadd.s32 s1, s30  }
0xbc: {  	s0 =	sor.u32 s3, s0;
	s1 =	sshll.u32 s1, $0x11  }
0xbd: {  	s0 =	sor.u32 s1, s0  }
0xbe: {  	s0 =	sadd.s32 $0x8F2B, s0  }
0xbf: {  	[sflag:s0] =	ssyncadd.remote.s32 $0x1  }
0xc0: {  	_ =	sfence.sel $0xFFFF  }
0xc1: {  	[dreg:$0x0] =	wrdreg $0xFFFFFFFF;
	(pc) =	sbr.abs _section_cstart, $3  }
0xc2: {  	[dreg:$0x1] =	wrdreg $0xFFFFFFFF  }
0xc3: {  	_ =	task.clear_ibuf [dreg:s8], $0x2FFFF;
	_ =	strace $0x9FFFFFFF  }
0xc4: {  	(tm) =	ssettm $0x7FFFFFFF  }
0xc5: {  	_ =	shalt  }
tec
execute0_lowered:
.L_overlay_start_1:
0x0: {  	(tag) =	ssettag $0x1  }
0x1: {  	s1 =	rddreg [dreg:$0x0]  }
0x2: {  	s2 =	srdreg.scid;
	s0 =	stileid.u32  }
0x3: {  	s4 =	rddreg [dreg:$0x1];
	s12 =	sand.u32 $0x1, s2;
	s31 =	sshll.u32 s0, $0x1  }
0x4: {  	s10 =	rddreg [dreg:$0x2];
	s11 =	sor.u32 s12, s31  }
0x5: {  	s3 =	simm.s32 $0x0;
	s2 =	rddreg [dreg:$0x3];
	s5 =	sshll.u32 s11, $0x5  }
0x6: {  	[smem:$0x7FF] =	sst s3;
	s4 =	sadd.s32 s5, s4  }
0x7: {  	_ =	strace $0x80000047;
	s5 =	simm.s32 $0x4;
	s4 =	sadd.s32 $0x1200, s4  }
0x8: {  	[tilespmem:s3], [sflag:$0x4] =	stream.linear.gather [hbm4b:s4+s3], $0x100, $0x38;
	[tilespmem:$0x8100] =	vst v63  }
0x9: {  	_ =	swait.ge [sflag:s5], $0x100  }
0xa: {  	[sflag:s5] =	ssyncset.done $0x0  }
0xb: {  	s6 =	simm.s32 $0x80;
	s7 =	simm.s32 $0x100;
	[sflag:s5] =	ssyncadd.s32 $0xFFFFFF00  }
0xc: {  	[tilespmem:s7], [sflag:$0x1] =	stream.indirect.gather [hbm4b:s1+s6], $0x80, s3, s6, $0xb8;
	[tilespmem:$0x8100] =	vst v63  }
0xd: {  	s8 =	simm.s32 $0x4100;
	s9 =	simm.s32 $0x1  }
0xe: {  	[tilespmem:s8], [sflag:$0x2] =	stream.indirect.gather [hbm4b:s1+s6], $0x80, s6, s6, $0xb8;
	[tilespmem:$0x8100] =	vst v63  }
0xf: {  	s14 =	ssub.s32 $0x2, s12;
	_ =	swait.ge [sflag:s9], $0x4000  }
0x10: {  	s11 =	sshll.u32 s11, $0xC;
	s15 =	sshrl.u32 s14, $0x1;
	[sflag:s9] =	ssyncset.done $0x0  }
0x11: {  	s10 =	sadd.s32 s10, s11;
	s11 =	simm.s32 $0x2;
	[sflag:s9] =	ssyncadd.s32 $0xFFFFC000  }
0x12: {  	[hbm4b:s10+s3] =	stream.linear.scatter [tilespmem:s7], [sflag:$0x3], $0x4000, $0x38;
	[tilespmem:$0x8100] =	vst v63  }
0x13: {  	s14 =	ssub.s32 s14, s15;
	_ =	swait.ge [sflag:s11], $0x4000  }
0x14: {  	s12 =	simm.s32 $0x3;
	s14 =	smax.u32 s14, $0x1;
	[sflag:s11] =	ssyncset.done $0x0  }
0x15: {  	s13 =	sadd.s32 $0x800, s10;
	p0 =	sne.s32 s14, $0x1;
	[sflag:s11] =	ssyncadd.s32 $0xFFFFC000  }
0x16: {  	[hbm4b:s13+s3] =	stream.linear.scatter [tilespmem:s8], [sflag:$0x3], $0x4000, $0x38;
	[tilespmem:$0x8100] =	vst v63  }
.Ltmp0:
0x17: {  	_ =	swait.ge [sflag:s12], $0x4000;
	(pc) =	sbr.rel @!p0 .LBB2_2-.Ltmp0, $4  }
0x18: {  	[sflag:s12] =	ssyncset.done $0x0  }
0x19: {  	[sflag:s12] =	ssyncadd.s32 $0xFFFFC000  }
0x1a: {  	_ =	swait.ge [sflag:s12], $0x4000  }
0x1b: {  	s14 =	sadd.s32 $0xFFFFFFFF, s14;
	[sflag:s12] =	ssyncset.done $0x0  }
.LBB2_1:
0x1c: {  	p0 =	sne.s32 s14, $0x1;
	s14 =	sadd.s32 $0xFFFFFFFF, s14;
	[sflag:s12] =	ssyncadd.s32 $0xFFFFC000  }
0x1d: {  	[tilespmem:s3], [sflag:$0x4] =	stream.linear.gather [hbm4b:s4+s3], $0x100, $0x38;
	[tilespmem:$0x8100] =	vst v63  }
0x1e: {  	_ =	swait.ge [sflag:s5], $0x100  }
0x1f: {  	[sflag:s5] =	ssyncset.done $0x0  }
0x20: {  	[sflag:s5] =	ssyncadd.s32 $0xFFFFFF00  }
0x21: {  	[tilespmem:s7], [sflag:$0x1] =	stream.indirect.gather [hbm4b:s1+s6], $0x80, s3, s6, $0xb8;
	[tilespmem:$0x8100] =	vst v63  }
0x22: {  	_ = 	snop  }
0x23: {  	[tilespmem:s8], [sflag:$0x2] =	stream.indirect.gather [hbm4b:s1+s6], $0x80, s6, s6, $0xb8;
	[tilespmem:$0x8100] =	vst v63  }
0x24: {  	_ =	swait.ge [sflag:s9], $0x4000  }
0x25: {  	[sflag:s9] =	ssyncset.done $0x0  }
0x26: {  	[sflag:s9] =	ssyncadd.s32 $0xFFFFC000  }
0x27: {  	[hbm4b:s10+s3] =	stream.linear.scatter [tilespmem:s7], [sflag:$0x3], $0x4000, $0x38;
	[tilespmem:$0x8100] =	vst v63  }
0x28: {  	_ =	swait.ge [sflag:s11], $0x4000  }
0x29: {  	[sflag:s11] =	ssyncset.done $0x0  }
0x2a: {  	[sflag:s11] =	ssyncadd.s32 $0xFFFFC000  }
0x2b: {  	[hbm4b:s13+s3] =	stream.linear.scatter [tilespmem:s8], [sflag:$0x3], $0x4000, $0x38;
	[tilespmem:$0x8100] =	vst v63  }
.Ltmp1:
0x2c: {  	_ =	swait.ge [sflag:s12], $0x4000;
	(pc) =	sbr.rel @p0 .LBB2_1-.Ltmp1, $4  }
0x2d: {  	[sflag:s12] =	ssyncset.done $0x0  }
0x2e: {  	[sflag:s12] =	ssyncadd.s32 $0xFFFFC000  }
0x2f: {  	_ =	swait.ge [sflag:s12], $0x4000  }
0x30: {  	[sflag:s12] =	ssyncset.done $0x0  }
.LBB2_2:
0x31: {  	[sflag:s12] =	ssyncadd.s32 $0xFFFFC000  }
0x32: {  	_ =	sfence.sel $0x180000  }
0x33: {  	[bflag:$0x0] =	sbarrier.arrive $0xFFFF  }
0x34: {  	p0 =	sne.s32 s0, $0x0;
	_ =	strace $0x90000047  }
0x35: {  	s0 =	sadd.s32 @!p0 $0x100000, s2;
	[bflag:$0x2] =	sbarrier.arrive $0xFFFF  }
0x36: {  	[sflag:s0] =	ssyncadd.tile.s32 @!p0 $0x1;
	_ =	shalt  }
.Lfunc_end2:
_tile_overlayer_lowered:
.L_overlay_start_2:
0x37: {  	(tag) =	ssettag $0x2  }
0x38: {  	s0 =	rddreg [dreg:$0x0];
	s2 =	stileid.u32  }
0x39: {  	s1 =	rddreg [dreg:$0x1];
	p0 =	sne.s32 s2, $0x0  }
0x3a: {  	s3 =	rddreg [dreg:$0x2];
	[bflag:$0x3] =	sbarrier.arrive $0xFFFF;
	s2 =	simm.s32 @!p0 $0x1C04  }
0x3b: {  	[timem:s3], [sflag:s2] =	dma.local @!p0 [hbm:s0], s1  }
0x3c: {  	s0 =	simm.s32 @!p0 $0x4  }
0x3d: {  	_ =	swait.ge @!p0 [sflag:s0], s1  }
0x3e: {  	s1 =	ssub.s32 @!p0 $0x0, s1;
	[sflag:s0] =	ssyncset.done @!p0 $0x0  }
0x3f: {  	[sflag:s0] =	ssyncadd.s32 @!p0 s1  }
0x40: {  	[bflag:$0x3] =	sbarrier.arrive $0xFFFF  }
0x41: {  	_ =	shalt  }

</sc_bundles>
